<compile_context>
chip_gen: v7x
topology: tpu7x:2x2x1
jax: 0.10.2.dev20260603
libtpu: 0.0.44.dev20260713+nightly
codegen_flags: <defaults>
</compile_context>

<pallas_src>
import functools

import jax
import jax.numpy as jnp
from jax import lax
from jax.experimental import pallas as pl
from jax.experimental.pallas import tpu as pltpu
from jax.experimental.pallas import tpu_sc as plsc

ROWS = 16384
COLS = 2048
L = 16
NC = 2
NS = 16
NW = NC * NS
RPW = ROWS // NW
CHUNK = 8
NCHUNK = RPW // CHUNK
CELEMS = CHUNK * COLS
JGROUPS = COLS // L


def _permute_body(x_hbm, perm_hbm, out_hbm, perm_v,
                  in_v0, in_v1, out_v0, out_v1,
                  isem0, isem1, osem0, osem1):
    wid = lax.axis_index("s") * NC + lax.axis_index("c")
    base0 = wid * RPW * COLS

    pltpu.sync_copy(perm_hbm, perm_v)

    def in_slice(c):
        return x_hbm.at[pl.ds(base0 + c * CELEMS, CELEMS)]

    def out_slice(c):
        return out_hbm.at[pl.ds(base0 + c * CELEMS, CELEMS)]

    def compute(in_v, out_v):
        def col_group(j, carry):
            colv = perm_v[pl.ds(j * L, L)]
            base_j = j * L
            for r in range(CHUNK):
                vals = plsc.load_gather(in_v, [colv + r * COLS])
                out_v[pl.ds(base_j + r * COLS, L)] = vals
            return carry

        lax.fori_loop(0, JGROUPS, col_group, 0)

    pltpu.async_copy(in_slice(0), in_v0, isem0)

    def step(t, carry):
        def run(in_v, out_v, isem_cur, isem_nxt, osem, in_nxt):
            @pl.when(t + 1 < NCHUNK)
            def _():
                pltpu.async_copy(in_slice(t + 1), in_nxt, isem_nxt)

            pltpu.make_async_copy(in_slice(t), in_v, isem_cur).wait()

            @pl.when(t >= 2)
            def _():
                pltpu.make_async_copy(out_v, out_slice(t - 2), osem).wait()

            compute(in_v, out_v)
            pltpu.async_copy(out_v, out_slice(t), osem)

        @pl.when(t % 2 == 0)
        def _():
            run(in_v0, out_v0, isem0, isem1, osem0, in_v1)

        @pl.when(t % 2 == 1)
        def _():
            run(in_v1, out_v1, isem1, isem0, osem1, in_v0)

        return carry

    lax.fori_loop(0, NCHUNK, step, 0)

    pltpu.make_async_copy(out_v0, out_slice(NCHUNK - 2), osem0).wait()
    pltpu.make_async_copy(out_v1, out_slice(NCHUNK - 1), osem1).wait()


_mesh = plsc.VectorSubcoreMesh(core_axis_name="c", subcore_axis_name="s")

_permute = functools.partial(
    pl.kernel,
    mesh=_mesh,
    out_type=jax.ShapeDtypeStruct((ROWS * COLS,), jnp.float32),
    scratch_types=[
        pltpu.VMEM((COLS,), jnp.int32),
        pltpu.VMEM((CELEMS,), jnp.float32),
        pltpu.VMEM((CELEMS,), jnp.float32),
        pltpu.VMEM((CELEMS,), jnp.float32),
        pltpu.VMEM((CELEMS,), jnp.float32),
        pltpu.SemaphoreType.DMA,
        pltpu.SemaphoreType.DMA,
        pltpu.SemaphoreType.DMA,
        pltpu.SemaphoreType.DMA,
    ],
    compiler_params=pltpu.CompilerParams(needs_layout_passes=False),
)(_permute_body)


def kernel(x, perm):
    flat = _permute(x.reshape(-1), perm.astype(jnp.int32))
    return flat.reshape(ROWS, COLS)

# --- scband reference (transcript-rebuilt; emitter-appended) ---
"""Pipeline reference for scband-permute-layer-12214886990306 (READ-ONLY COPY).

The authoritative reference and input builder live on the scoring server;
editing this copy changes nothing except your own understanding.
"""

import jax, jax.numpy as jnp
import numpy as np


def _make_perm(in_channels, seed):
    rng = np.random.RandomState(seed)
    perm = rng.permutation(in_channels)
    perm_inv = np.zeros_like(perm)
    for i, p in enumerate(perm):
        perm_inv[p] = i
    return jnp.asarray(perm, dtype=jnp.int64), jnp.asarray(perm_inv, dtype=jnp.int64)


def setup_inputs(seed: int = 0) -> dict:
    key = jax.random.key(seed)
    x = jax.random.normal(key, (16384, 2048), dtype=jnp.float32)
    perm, perm_inv = _make_perm(2048, 0)
    return {"x": x, "perm": perm}


def reference(x, perm):
    # PermuteLayer.call with rev=False: gather columns by fixed permutation
    # original returns [x[0][:, self.perm]]; we return the single tensor
    return jnp.take(x, perm, axis=1)

if __name__ == "__main__":
    import jax
    _d = setup_inputs()
    print(jax.jit(kernel)(*tuple(_d.values())))

</pallas_src>

<mosaic_0001>
#map = affine_map<(d0, d1) -> (0)>
module attributes {stable_mosaic.version = 14 : i64} {
  func.func @_permute_body(%arg0: i32, %arg1: i32, %arg2: memref<33554432xf32, #tpu.memory_space<hbm>>, %arg3: memref<2048xi32, #tpu.memory_space<hbm>>, %arg4: memref<33554432xf32, #tpu.memory_space<hbm>>, %arg5: memref<2048xi32, #tpu.memory_space<vmem>>, %arg6: memref<16384xf32, #tpu.memory_space<vmem>>, %arg7: memref<16384xf32, #tpu.memory_space<vmem>>, %arg8: memref<16384xf32, #tpu.memory_space<vmem>>, %arg9: memref<16384xf32, #tpu.memory_space<vmem>>, %arg10: memref<!tpu.dma_semaphore, #tpu.memory_space<semaphore_mem>>, %arg11: memref<!tpu.dma_semaphore, #tpu.memory_space<semaphore_mem>>, %arg12: memref<!tpu.dma_semaphore, #tpu.memory_space<semaphore_mem>>, %arg13: memref<!tpu.dma_semaphore, #tpu.memory_space<semaphore_mem>>) attributes {dimension_semantics = [#tpu.dimension_semantics<core_parallel>, #tpu.dimension_semantics<subcore_parallel>], iteration_bounds = array<i64: 2, 16>, scalar_prefetch = 0 : i64, scratch_operands = 9 : i64, tpu.core_type = #tpu.core_type<sc_vector_subcore>, window_params = [{transform_indices = #map}, {transform_indices = #map}, {transform_indices = #map}]} {
    %mul3A = arith.constant 2 : i32
    %mul3A_0 = arith.muli %arg1, %mul3A : i32
    %add3A = arith.addi %mul3A_0, %arg0 : i32
    %mul3A_1 = arith.constant 512 : i32
    %mul3A_2 = arith.muli %add3A, %mul3A_1 : i32
    %mul3A_3 = arith.constant 2048 : i32
    %mul3A_4 = arith.muli %mul3A_2, %mul3A_3 : i32
    "tpu.region"() ({
      %run_scoped3A = tpu.sem_alloc : memref<!tpu.dma_semaphore, #tpu.memory_space<semaphore_mem>>
      tpu.enqueue_dma source(%arg3 : memref<2048xi32, #tpu.memory_space<hbm>>) target(%arg5 : memref<2048xi32, #tpu.memory_space<vmem>>) target_semaphore(%run_scoped3A : memref<!tpu.dma_semaphore, #tpu.memory_space<semaphore_mem>>)
      tpu.wait_dma2 semaphore(%run_scoped3A : memref<!tpu.dma_semaphore, #tpu.memory_space<semaphore_mem>>) src(%arg3 : memref<2048xi32, #tpu.memory_space<hbm>>) dst(%arg5 : memref<2048xi32, #tpu.memory_space<vmem>>)
      tpu.yield
    }) : () -> ()
    %add3A_5 = arith.constant 0 : i32
    %add3A_6 = arith.addi %mul3A_4, %add3A_5 : i32
    %dma_start3A = tpu.memref_slice %arg2[%add3A_6] : memref<33554432xf32, #tpu.memory_space<hbm>> -> memref<16384xf32, #tpu.memory_space<hbm>>
    %dma_start3A_7 = tpu.memref_slice %arg2[%add3A_6] : memref<33554432xf32, #tpu.memory_space<hbm>> -> memref<16384xf32, #tpu.memory_space<hbm>>
    tpu.enqueue_dma source(%dma_start3A_7 : memref<16384xf32, #tpu.memory_space<hbm>>) target(%arg6 : memref<16384xf32, #tpu.memory_space<vmem>>) target_semaphore(%arg10 : memref<!tpu.dma_semaphore, #tpu.memory_space<semaphore_mem>>)
    %scan3A = arith.constant 0 : i32
    %scan3A_8 = arith.constant 0 : i32
    %scan3A_9 = arith.constant 64 : i32
    %scan3A_10 = arith.addi %scan3A_8, %scan3A_9 : i32
    %scan3A_11 = arith.constant 1 : i32
    scf.for %scan3A_20 = %scan3A_8 to %scan3A_10 step %scan3A_11  : i32 {
      %jit3A = arith.constant 2 : i32
      %eq3A = arith.constant 0 : i32
      %eq3A_21 = arith.cmpi eq, %jit3A, %eq3A : i32
      %jit3A_22 = arith.constant 1 : i32
      %select_n3A = arith.select %eq3A_21, %jit3A_22, %jit3A : i32
      %rem3A = arith.remsi %scan3A_20, %select_n3A : i32
      %ne3A = arith.constant 0 : i32
      %ne3A_23 = arith.cmpi ne, %rem3A, %ne3A : i32
      %lt3A = arith.constant 0 : i32
      %lt3A_24 = arith.cmpi slt, %rem3A, %lt3A : i32
      %lt3A_25 = arith.constant 0 : i32
      %lt3A_26 = arith.cmpi slt, %select_n3A, %lt3A_25 : i32
      %ne3A_27 = arith.xori %lt3A_24, %lt3A_26 : i1
      %and3A = arith.andi %ne3A_27, %ne3A_23 : i1
      %add3A_28 = arith.addi %rem3A, %select_n3A : i32
      %select_n3A_29 = arith.select %and3A, %add3A_28, %rem3A : i32
      %eq3A_30 = arith.constant 0 : i32
      %eq3A_31 = arith.cmpi eq, %select_n3A_29, %eq3A_30 : i32
      %convert_element_type3A = arith.extui %eq3A_31 : i1 to i32
      %cond3A = arith.constant 0 : i32
      %cond3A_32 = arith.cmpi ne, %convert_element_type3A, %cond3A : i32
      scf.if %cond3A_32 {
        %add3A_54 = arith.constant 1 : i32
        %add3A_55 = arith.addi %scan3A_20, %add3A_54 : i32
        %lt3A_56 = arith.constant 64 : i32
        %lt3A_57 = arith.cmpi slt, %add3A_55, %lt3A_56 : i32
        %convert_element_type3A_58 = arith.extui %lt3A_57 : i1 to i32
        %cond3A_59 = arith.constant 0 : i32
        %cond3A_60 = arith.cmpi ne, %convert_element_type3A_58, %cond3A_59 : i32
        scf.if %cond3A_60 {
          %add3A_81 = arith.constant 1 : i32
          %add3A_82 = arith.addi %scan3A_20, %add3A_81 : i32
          %mul3A_83 = arith.constant 16384 : i32
          %mul3A_84 = arith.muli %add3A_82, %mul3A_83 : i32
          %add3A_85 = arith.addi %mul3A_4, %mul3A_84 : i32
          %dma_start3A_86 = tpu.memref_slice %arg2[%add3A_85] : memref<33554432xf32, #tpu.memory_space<hbm>> -> memref<16384xf32, #tpu.memory_space<hbm>>
          %dma_start3A_87 = tpu.memref_slice %arg2[%add3A_85] : memref<33554432xf32, #tpu.memory_space<hbm>> -> memref<16384xf32, #tpu.memory_space<hbm>>
          tpu.enqueue_dma source(%dma_start3A_87 : memref<16384xf32, #tpu.memory_space<hbm>>) target(%arg7 : memref<16384xf32, #tpu.memory_space<vmem>>) target_semaphore(%arg11 : memref<!tpu.dma_semaphore, #tpu.memory_space<semaphore_mem>>)
        } else {
        }
        %mul3A_61 = arith.constant 16384 : i32
        %mul3A_62 = arith.muli %scan3A_20, %mul3A_61 : i32
        %add3A_63 = arith.addi %mul3A_4, %mul3A_62 : i32
        %dma_wait3A_64 = tpu.memref_slice %arg2[%add3A_63] : memref<33554432xf32, #tpu.memory_space<hbm>> -> memref<16384xf32, #tpu.memory_space<hbm>>
        %dma_wait3A_65 = tpu.memref_slice %arg2[%add3A_63] : memref<33554432xf32, #tpu.memory_space<hbm>> -> memref<16384xf32, #tpu.memory_space<hbm>>
        tpu.wait_dma2 semaphore(%arg10 : memref<!tpu.dma_semaphore, #tpu.memory_space<semaphore_mem>>) src(%dma_wait3A_65 : memref<16384xf32, #tpu.memory_space<hbm>>) dst(%arg6 : memref<16384xf32, #tpu.memory_space<vmem>>)
        %ge3A = arith.constant 2 : i32
        %ge3A_66 = arith.cmpi sge, %scan3A_20, %ge3A : i32
        %convert_element_type3A_67 = arith.extui %ge3A_66 : i1 to i32
        %cond3A_68 = arith.constant 0 : i32
        %cond3A_69 = arith.cmpi ne, %convert_element_type3A_67, %cond3A_68 : i32
        scf.if %cond3A_69 {
          %sub3A = arith.constant 2 : i32
          %sub3A_81 = arith.subi %scan3A_20, %sub3A : i32
          %mul3A_82 = arith.constant 16384 : i32
          %mul3A_83 = arith.muli %sub3A_81, %mul3A_82 : i32
          %add3A_84 = arith.addi %mul3A_4, %mul3A_83 : i32
          %dma_wait3A_85 = tpu.memref_slice %arg4[%add3A_84] : memref<33554432xf32, #tpu.memory_space<hbm>> -> memref<16384xf32, #tpu.memory_space<hbm>>
          %dma_wait3A_86 = tpu.memref_slice %arg4[%add3A_84] : memref<33554432xf32, #tpu.memory_space<hbm>> -> memref<16384xf32, #tpu.memory_space<hbm>>
          tpu.wait_dma2 semaphore(%arg12 : memref<!tpu.dma_semaphore, #tpu.memory_space<semaphore_mem>>) src(%arg8 : memref<16384xf32, #tpu.memory_space<vmem>>) dst(%dma_wait3A_86 : memref<16384xf32, #tpu.memory_space<hbm>>)
        } else {
        }
        %scan3A_70 = arith.constant 0 : i32
        %scan3A_71 = arith.constant 0 : i32
        %scan3A_72 = arith.constant 128 : i32
        %scan3A_73 = arith.addi %scan3A_71, %scan3A_72 : i32
        %scan3A_74 = arith.constant 1 : i32
        scf.for %scan3A_81 = %scan3A_71 to %scan3A_73 step %scan3A_74  : i32 {
          %mul3A_82 = arith.constant 16 : i32
          %mul3A_83 = arith.muli %scan3A_81, %mul3A_82 : i32
          %get3A = arith.index_cast %mul3A_83 : i32 to index
          %get3A_84 = tpu.vector_load %arg5[%get3A] {strides = array<i32>} : memref<2048xi32, #tpu.memory_space<vmem>>, vector<16xi32>,
          %mul3A_85 = arith.constant 16 : i32
          %mul3A_86 = arith.muli %scan3A_81, %mul3A_85 : i32
          %add3A_87 = arith.constant 0 : i32
          %add3A_88 = vector.broadcast %add3A_87 : i32 to vector<16xi32>
          %add3A_89 = arith.addi %get3A_84, %add3A_88 : vector<16xi32>
          %gather3A = tpu.vector_load_idx %arg6[%add3A_89] : memref<16384xf32, #tpu.memory_space<vmem>>[vector<16xi32>], vector<16xf32>,
          %add3A_90 = arith.constant 0 : i32
          %add3A_91 = arith.addi %mul3A_86, %add3A_90 : i32
          %swap3A = arith.index_cast %add3A_91 : i32 to index
          %swap3A_92 = tpu.vector_load %arg8[%swap3A] {strides = array<i32>} : memref<16384xf32, #tpu.memory_space<vmem>>, vector<16xf32>,
          tpu.vector_store %arg8[%swap3A], %gather3A {strides = array<i32>} : memref<16384xf32, #tpu.memory_space<vmem>>, vector<16xf32>,
          %add3A_93 = arith.constant 2048 : i32
          %add3A_94 = vector.broadcast %add3A_93 : i32 to vector<16xi32>
          %add3A_95 = arith.addi %get3A_84, %add3A_94 : vector<16xi32>
          %gather3A_96 = tpu.vector_load_idx %arg6[%add3A_95] : memref<16384xf32, #tpu.memory_space<vmem>>[vector<16xi32>], vector<16xf32>,
          %add3A_97 = arith.constant 2048 : i32
          %add3A_98 = arith.addi %mul3A_86, %add3A_97 : i32
          %swap3A_99 = arith.index_cast %add3A_98 : i32 to index
          %swap3A_100 = tpu.vector_load %arg8[%swap3A_99] {strides = array<i32>} : memref<16384xf32, #tpu.memory_space<vmem>>, vector<16xf32>,
          tpu.vector_store %arg8[%swap3A_99], %gather3A_96 {strides = array<i32>} : memref<16384xf32, #tpu.memory_space<vmem>>, vector<16xf32>,
          %add3A_101 = arith.constant 4096 : i32
          %add3A_102 = vector.broadcast %add3A_101 : i32 to vector<16xi32>
          %add3A_103 = arith.addi %get3A_84, %add3A_102 : vector<16xi32>
          %gather3A_104 = tpu.vector_load_idx %arg6[%add3A_103] : memref<16384xf32, #tpu.memory_space<vmem>>[vector<16xi32>], vector<16xf32>,
          %add3A_105 = arith.constant 4096 : i32
          %add3A_106 = arith.addi %mul3A_86, %add3A_105 : i32
          %swap3A_107 = arith.index_cast %add3A_106 : i32 to index
          %swap3A_108 = tpu.vector_load %arg8[%swap3A_107] {strides = array<i32>} : memref<16384xf32, #tpu.memory_space<vmem>>, vector<16xf32>,
          tpu.vector_store %arg8[%swap3A_107], %gather3A_104 {strides = array<i32>} : memref<16384xf32, #tpu.memory_space<vmem>>, vector<16xf32>,
          %add3A_109 = arith.constant 6144 : i32
          %add3A_110 = vector.broadcast %add3A_109 : i32 to vector<16xi32>
          %add3A_111 = arith.addi %get3A_84, %add3A_110 : vector<16xi32>
          %gather3A_112 = tpu.vector_load_idx %arg6[%add3A_111] : memref<16384xf32, #tpu.memory_space<vmem>>[vector<16xi32>], vector<16xf32>,
          %add3A_113 = arith.constant 6144 : i32
          %add3A_114 = arith.addi %mul3A_86, %add3A_113 : i32
          %swap3A_115 = arith.index_cast %add3A_114 : i32 to index
          %swap3A_116 = tpu.vector_load %arg8[%swap3A_115] {strides = array<i32>} : memref<16384xf32, #tpu.memory_space<vmem>>, vector<16xf32>,
          tpu.vector_store %arg8[%swap3A_115], %gather3A_112 {strides = array<i32>} : memref<16384xf32, #tpu.memory_space<vmem>>, vector<16xf32>,
          %add3A_117 = arith.constant 8192 : i32
          %add3A_118 = vector.broadcast %add3A_117 : i32 to vector<16xi32>
          %add3A_119 = arith.addi %get3A_84, %add3A_118 : vector<16xi32>
          %gather3A_120 = tpu.vector_load_idx %arg6[%add3A_119] : memref<16384xf32, #tpu.memory_space<vmem>>[vector<16xi32>], vector<16xf32>,
          %add3A_121 = arith.constant 8192 : i32
          %add3A_122 = arith.addi %mul3A_86, %add3A_121 : i32
          %swap3A_123 = arith.index_cast %add3A_122 : i32 to index
          %swap3A_124 = tpu.vector_load %arg8[%swap3A_123] {strides = array<i32>} : memref<16384xf32, #tpu.memory_space<vmem>>, vector<16xf32>,
          tpu.vector_store %arg8[%swap3A_123], %gather3A_120 {strides = array<i32>} : memref<16384xf32, #tpu.memory_space<vmem>>, vector<16xf32>,
          %add3A_125 = arith.constant 10240 : i32
          %add3A_126 = vector.broadcast %add3A_125 : i32 to vector<16xi32>
          %add3A_127 = arith.addi %get3A_84, %add3A_126 : vector<16xi32>
          %gather3A_128 = tpu.vector_load_idx %arg6[%add3A_127] : memref<16384xf32, #tpu.memory_space<vmem>>[vector<16xi32>], vector<16xf32>,
          %add3A_129 = arith.constant 10240 : i32
          %add3A_130 = arith.addi %mul3A_86, %add3A_129 : i32
          %swap3A_131 = arith.index_cast %add3A_130 : i32 to index
          %swap3A_132 = tpu.vector_load %arg8[%swap3A_131] {strides = array<i32>} : memref<16384xf32, #tpu.memory_space<vmem>>, vector<16xf32>,
          tpu.vector_store %arg8[%swap3A_131], %gather3A_128 {strides = array<i32>} : memref<16384xf32, #tpu.memory_space<vmem>>, vector<16xf32>,
          %add3A_133 = arith.constant 12288 : i32
          %add3A_134 = vector.broadcast %add3A_133 : i32 to vector<16xi32>
          %add3A_135 = arith.addi %get3A_84, %add3A_134 : vector<16xi32>
          %gather3A_136 = tpu.vector_load_idx %arg6[%add3A_135] : memref<16384xf32, #tpu.memory_space<vmem>>[vector<16xi32>], vector<16xf32>,
          %add3A_137 = arith.constant 12288 : i32
          %add3A_138 = arith.addi %mul3A_86, %add3A_137 : i32
          %swap3A_139 = arith.index_cast %add3A_138 : i32 to index
          %swap3A_140 = tpu.vector_load %arg8[%swap3A_139] {strides = array<i32>} : memref<16384xf32, #tpu.memory_space<vmem>>, vector<16xf32>,
          tpu.vector_store %arg8[%swap3A_139], %gather3A_136 {strides = array<i32>} : memref<16384xf32, #tpu.memory_space<vmem>>, vector<16xf32>,
          %add3A_141 = arith.constant 14336 : i32
          %add3A_142 = vector.broadcast %add3A_141 : i32 to vector<16xi32>
          %add3A_143 = arith.addi %get3A_84, %add3A_142 : vector<16xi32>
          %gather3A_144 = tpu.vector_load_idx %arg6[%add3A_143] : memref<16384xf32, #tpu.memory_space<vmem>>[vector<16xi32>], vector<16xf32>,
          %add3A_145 = arith.constant 14336 : i32
          %add3A_146 = arith.addi %mul3A_86, %add3A_145 : i32
          %swap3A_147 = arith.index_cast %add3A_146 : i32 to index
          %swap3A_148 = tpu.vector_load %arg8[%swap3A_147] {strides = array<i32>} : memref<16384xf32, #tpu.memory_space<vmem>>, vector<16xf32>,
          tpu.vector_store %arg8[%swap3A_147], %gather3A_144 {strides = array<i32>} : memref<16384xf32, #tpu.memory_space<vmem>>, vector<16xf32>,
        }
        %scan3A_75 = arith.constant 128 : i32
        %mul3A_76 = arith.constant 16384 : i32
        %mul3A_77 = arith.muli %scan3A_20, %mul3A_76 : i32
        %add3A_78 = arith.addi %mul3A_4, %mul3A_77 : i32
        %dma_start3A_79 = tpu.memref_slice %arg4[%add3A_78] : memref<33554432xf32, #tpu.memory_space<hbm>> -> memref<16384xf32, #tpu.memory_space<hbm>>
        %dma_start3A_80 = tpu.memref_slice %arg4[%add3A_78] : memref<33554432xf32, #tpu.memory_space<hbm>> -> memref<16384xf32, #tpu.memory_space<hbm>>
        tpu.enqueue_dma source(%arg8 : memref<16384xf32, #tpu.memory_space<vmem>>) target(%dma_start3A_80 : memref<16384xf32, #tpu.memory_space<hbm>>) target_semaphore(%arg12 : memref<!tpu.dma_semaphore, #tpu.memory_space<semaphore_mem>>)
      } else {
      }
      %jit3A_33 = arith.constant 2 : i32
      %eq3A_34 = arith.constant 0 : i32
      %eq3A_35 = arith.cmpi eq, %jit3A_33, %eq3A_34 : i32
      %jit3A_36 = arith.constant 1 : i32
      %select_n3A_37 = arith.select %eq3A_35, %jit3A_36, %jit3A_33 : i32
      %rem3A_38 = arith.remsi %scan3A_20, %select_n3A_37 : i32
      %ne3A_39 = arith.constant 0 : i32
      %ne3A_40 = arith.cmpi ne, %rem3A_38, %ne3A_39 : i32
      %lt3A_41 = arith.constant 0 : i32
      %lt3A_42 = arith.cmpi slt, %rem3A_38, %lt3A_41 : i32
      %lt3A_43 = arith.constant 0 : i32
      %lt3A_44 = arith.cmpi slt, %select_n3A_37, %lt3A_43 : i32
      %ne3A_45 = arith.xori %lt3A_42, %lt3A_44 : i1
      %and3A_46 = arith.andi %ne3A_45, %ne3A_40 : i1
      %add3A_47 = arith.addi %rem3A_38, %select_n3A_37 : i32
      %select_n3A_48 = arith.select %and3A_46, %add3A_47, %rem3A_38 : i32
      %eq3A_49 = arith.constant 1 : i32
      %eq3A_50 = arith.cmpi eq, %select_n3A_48, %eq3A_49 : i32
      %convert_element_type3A_51 = arith.extui %eq3A_50 : i1 to i32
      %cond3A_52 = arith.constant 0 : i32
      %cond3A_53 = arith.cmpi ne, %convert_element_type3A_51, %cond3A_52 : i32
      scf.if %cond3A_53 {
        %add3A_54 = arith.constant 1 : i32
        %add3A_55 = arith.addi %scan3A_20, %add3A_54 : i32
        %lt3A_56 = arith.constant 64 : i32
        %lt3A_57 = arith.cmpi slt, %add3A_55, %lt3A_56 : i32
        %convert_element_type3A_58 = arith.extui %lt3A_57 : i1 to i32
        %cond3A_59 = arith.constant 0 : i32
        %cond3A_60 = arith.cmpi ne, %convert_element_type3A_58, %cond3A_59 : i32
        scf.if %cond3A_60 {
          %add3A_81 = arith.constant 1 : i32
          %add3A_82 = arith.addi %scan3A_20, %add3A_81 : i32
          %mul3A_83 = arith.constant 16384 : i32
          %mul3A_84 = arith.muli %add3A_82, %mul3A_83 : i32
          %add3A_85 = arith.addi %mul3A_4, %mul3A_84 : i32
          %dma_start3A_86 = tpu.memref_slice %arg2[%add3A_85] : memref<33554432xf32, #tpu.memory_space<hbm>> -> memref<16384xf32, #tpu.memory_space<hbm>>
          %dma_start3A_87 = tpu.memref_slice %arg2[%add3A_85] : memref<33554432xf32, #tpu.memory_space<hbm>> -> memref<16384xf32, #tpu.memory_space<hbm>>
          tpu.enqueue_dma source(%dma_start3A_87 : memref<16384xf32, #tpu.memory_space<hbm>>) target(%arg6 : memref<16384xf32, #tpu.memory_space<vmem>>) target_semaphore(%arg10 : memref<!tpu.dma_semaphore, #tpu.memory_space<semaphore_mem>>)
        } else {
        }
        %mul3A_61 = arith.constant 16384 : i32
        %mul3A_62 = arith.muli %scan3A_20, %mul3A_61 : i32
        %add3A_63 = arith.addi %mul3A_4, %mul3A_62 : i32
        %dma_wait3A_64 = tpu.memref_slice %arg2[%add3A_63] : memref<33554432xf32, #tpu.memory_space<hbm>> -> memref<16384xf32, #tpu.memory_space<hbm>>
        %dma_wait3A_65 = tpu.memref_slice %arg2[%add3A_63] : memref<33554432xf32, #tpu.memory_space<hbm>> -> memref<16384xf32, #tpu.memory_space<hbm>>
        tpu.wait_dma2 semaphore(%arg11 : memref<!tpu.dma_semaphore, #tpu.memory_space<semaphore_mem>>) src(%dma_wait3A_65 : memref<16384xf32, #tpu.memory_space<hbm>>) dst(%arg7 : memref<16384xf32, #tpu.memory_space<vmem>>)
        %ge3A = arith.constant 2 : i32
        %ge3A_66 = arith.cmpi sge, %scan3A_20, %ge3A : i32
        %convert_element_type3A_67 = arith.extui %ge3A_66 : i1 to i32
        %cond3A_68 = arith.constant 0 : i32
        %cond3A_69 = arith.cmpi ne, %convert_element_type3A_67, %cond3A_68 : i32
        scf.if %cond3A_69 {
          %sub3A = arith.constant 2 : i32
          %sub3A_81 = arith.subi %scan3A_20, %sub3A : i32
          %mul3A_82 = arith.constant 16384 : i32
          %mul3A_83 = arith.muli %sub3A_81, %mul3A_82 : i32
          %add3A_84 = arith.addi %mul3A_4, %mul3A_83 : i32
          %dma_wait3A_85 = tpu.memref_slice %arg4[%add3A_84] : memref<33554432xf32, #tpu.memory_space<hbm>> -> memref<16384xf32, #tpu.memory_space<hbm>>
          %dma_wait3A_86 = tpu.memref_slice %arg4[%add3A_84] : memref<33554432xf32, #tpu.memory_space<hbm>> -> memref<16384xf32, #tpu.memory_space<hbm>>
          tpu.wait_dma2 semaphore(%arg13 : memref<!tpu.dma_semaphore, #tpu.memory_space<semaphore_mem>>) src(%arg9 : memref<16384xf32, #tpu.memory_space<vmem>>) dst(%dma_wait3A_86 : memref<16384xf32, #tpu.memory_space<hbm>>)
        } else {
        }
        %scan3A_70 = arith.constant 0 : i32
        %scan3A_71 = arith.constant 0 : i32
        %scan3A_72 = arith.constant 128 : i32
        %scan3A_73 = arith.addi %scan3A_71, %scan3A_72 : i32
        %scan3A_74 = arith.constant 1 : i32
        scf.for %scan3A_81 = %scan3A_71 to %scan3A_73 step %scan3A_74  : i32 {
          %mul3A_82 = arith.constant 16 : i32
          %mul3A_83 = arith.muli %scan3A_81, %mul3A_82 : i32
          %get3A = arith.index_cast %mul3A_83 : i32 to index
          %get3A_84 = tpu.vector_load %arg5[%get3A] {strides = array<i32>} : memref<2048xi32, #tpu.memory_space<vmem>>, vector<16xi32>,
          %mul3A_85 = arith.constant 16 : i32
          %mul3A_86 = arith.muli %scan3A_81, %mul3A_85 : i32
          %add3A_87 = arith.constant 0 : i32
          %add3A_88 = vector.broadcast %add3A_87 : i32 to vector<16xi32>
          %add3A_89 = arith.addi %get3A_84, %add3A_88 : vector<16xi32>
          %gather3A = tpu.vector_load_idx %arg7[%add3A_89] : memref<16384xf32, #tpu.memory_space<vmem>>[vector<16xi32>], vector<16xf32>,
          %add3A_90 = arith.constant 0 : i32
          %add3A_91 = arith.addi %mul3A_86, %add3A_90 : i32
          %swap3A = arith.index_cast %add3A_91 : i32 to index
          %swap3A_92 = tpu.vector_load %arg9[%swap3A] {strides = array<i32>} : memref<16384xf32, #tpu.memory_space<vmem>>, vector<16xf32>,
          tpu.vector_store %arg9[%swap3A], %gather3A {strides = array<i32>} : memref<16384xf32, #tpu.memory_space<vmem>>, vector<16xf32>,
          %add3A_93 = arith.constant 2048 : i32
          %add3A_94 = vector.broadcast %add3A_93 : i32 to vector<16xi32>
          %add3A_95 = arith.addi %get3A_84, %add3A_94 : vector<16xi32>
          %gather3A_96 = tpu.vector_load_idx %arg7[%add3A_95] : memref<16384xf32, #tpu.memory_space<vmem>>[vector<16xi32>], vector<16xf32>,
          %add3A_97 = arith.constant 2048 : i32
          %add3A_98 = arith.addi %mul3A_86, %add3A_97 : i32
          %swap3A_99 = arith.index_cast %add3A_98 : i32 to index
          %swap3A_100 = tpu.vector_load %arg9[%swap3A_99] {strides = array<i32>} : memref<16384xf32, #tpu.memory_space<vmem>>, vector<16xf32>,
          tpu.vector_store %arg9[%swap3A_99], %gather3A_96 {strides = array<i32>} : memref<16384xf32, #tpu.memory_space<vmem>>, vector<16xf32>,
          %add3A_101 = arith.constant 4096 : i32
          %add3A_102 = vector.broadcast %add3A_101 : i32 to vector<16xi32>
          %add3A_103 = arith.addi %get3A_84, %add3A_102 : vector<16xi32>
          %gather3A_104 = tpu.vector_load_idx %arg7[%add3A_103] : memref<16384xf32, #tpu.memory_space<vmem>>[vector<16xi32>], vector<16xf32>,
          %add3A_105 = arith.constant 4096 : i32
          %add3A_106 = arith.addi %mul3A_86, %add3A_105 : i32
          %swap3A_107 = arith.index_cast %add3A_106 : i32 to index
          %swap3A_108 = tpu.vector_load %arg9[%swap3A_107] {strides = array<i32>} : memref<16384xf32, #tpu.memory_space<vmem>>, vector<16xf32>,
          tpu.vector_store %arg9[%swap3A_107], %gather3A_104 {strides = array<i32>} : memref<16384xf32, #tpu.memory_space<vmem>>, vector<16xf32>,
          %add3A_109 = arith.constant 6144 : i32
          %add3A_110 = vector.broadcast %add3A_109 : i32 to vector<16xi32>
          %add3A_111 = arith.addi %get3A_84, %add3A_110 : vector<16xi32>
          %gather3A_112 = tpu.vector_load_idx %arg7[%add3A_111] : memref<16384xf32, #tpu.memory_space<vmem>>[vector<16xi32>], vector<16xf32>,
          %add3A_113 = arith.constant 6144 : i32
          %add3A_114 = arith.addi %mul3A_86, %add3A_113 : i32
          %swap3A_115 = arith.index_cast %add3A_114 : i32 to index
          %swap3A_116 = tpu.vector_load %arg9[%swap3A_115] {strides = array<i32>} : memref<16384xf32, #tpu.memory_space<vmem>>, vector<16xf32>,
          tpu.vector_store %arg9[%swap3A_115], %gather3A_112 {strides = array<i32>} : memref<16384xf32, #tpu.memory_space<vmem>>, vector<16xf32>,
          %add3A_117 = arith.constant 8192 : i32
          %add3A_118 = vector.broadcast %add3A_117 : i32 to vector<16xi32>
          %add3A_119 = arith.addi %get3A_84, %add3A_118 : vector<16xi32>
          %gather3A_120 = tpu.vector_load_idx %arg7[%add3A_119] : memref<16384xf32, #tpu.memory_space<vmem>>[vector<16xi32>], vector<16xf32>,
          %add3A_121 = arith.constant 8192 : i32
          %add3A_122 = arith.addi %mul3A_86, %add3A_121 : i32
          %swap3A_123 = arith.index_cast %add3A_122 : i32 to index
          %swap3A_124 = tpu.vector_load %arg9[%swap3A_123] {strides = array<i32>} : memref<16384xf32, #tpu.memory_space<vmem>>, vector<16xf32>,
          tpu.vector_store %arg9[%swap3A_123], %gather3A_120 {strides = array<i32>} : memref<16384xf32, #tpu.memory_space<vmem>>, vector<16xf32>,
          %add3A_125 = arith.constant 10240 : i32
          %add3A_126 = vector.broadcast %add3A_125 : i32 to vector<16xi32>
          %add3A_127 = arith.addi %get3A_84, %add3A_126 : vector<16xi32>
          %gather3A_128 = tpu.vector_load_idx %arg7[%add3A_127] : memref<16384xf32, #tpu.memory_space<vmem>>[vector<16xi32>], vector<16xf32>,
          %add3A_129 = arith.constant 10240 : i32
          %add3A_130 = arith.addi %mul3A_86, %add3A_129 : i32
          %swap3A_131 = arith.index_cast %add3A_130 : i32 to index
          %swap3A_132 = tpu.vector_load %arg9[%swap3A_131] {strides = array<i32>} : memref<16384xf32, #tpu.memory_space<vmem>>, vector<16xf32>,
          tpu.vector_store %arg9[%swap3A_131], %gather3A_128 {strides = array<i32>} : memref<16384xf32, #tpu.memory_space<vmem>>, vector<16xf32>,
          %add3A_133 = arith.constant 12288 : i32
          %add3A_134 = vector.broadcast %add3A_133 : i32 to vector<16xi32>
          %add3A_135 = arith.addi %get3A_84, %add3A_134 : vector<16xi32>
          %gather3A_136 = tpu.vector_load_idx %arg7[%add3A_135] : memref<16384xf32, #tpu.memory_space<vmem>>[vector<16xi32>], vector<16xf32>,
          %add3A_137 = arith.constant 12288 : i32
          %add3A_138 = arith.addi %mul3A_86, %add3A_137 : i32
          %swap3A_139 = arith.index_cast %add3A_138 : i32 to index
          %swap3A_140 = tpu.vector_load %arg9[%swap3A_139] {strides = array<i32>} : memref<16384xf32, #tpu.memory_space<vmem>>, vector<16xf32>,
          tpu.vector_store %arg9[%swap3A_139], %gather3A_136 {strides = array<i32>} : memref<16384xf32, #tpu.memory_space<vmem>>, vector<16xf32>,
          %add3A_141 = arith.constant 14336 : i32
          %add3A_142 = vector.broadcast %add3A_141 : i32 to vector<16xi32>
          %add3A_143 = arith.addi %get3A_84, %add3A_142 : vector<16xi32>
          %gather3A_144 = tpu.vector_load_idx %arg7[%add3A_143] : memref<16384xf32, #tpu.memory_space<vmem>>[vector<16xi32>], vector<16xf32>,
          %add3A_145 = arith.constant 14336 : i32
          %add3A_146 = arith.addi %mul3A_86, %add3A_145 : i32
          %swap3A_147 = arith.index_cast %add3A_146 : i32 to index
          %swap3A_148 = tpu.vector_load %arg9[%swap3A_147] {strides = array<i32>} : memref<16384xf32, #tpu.memory_space<vmem>>, vector<16xf32>,
          tpu.vector_store %arg9[%swap3A_147], %gather3A_144 {strides = array<i32>} : memref<16384xf32, #tpu.memory_space<vmem>>, vector<16xf32>,
        }
        %scan3A_75 = arith.constant 128 : i32
        %mul3A_76 = arith.constant 16384 : i32
        %mul3A_77 = arith.muli %scan3A_20, %mul3A_76 : i32
        %add3A_78 = arith.addi %mul3A_4, %mul3A_77 : i32
        %dma_start3A_79 = tpu.memref_slice %arg4[%add3A_78] : memref<33554432xf32, #tpu.memory_space<hbm>> -> memref<16384xf32, #tpu.memory_space<hbm>>
        %dma_start3A_80 = tpu.memref_slice %arg4[%add3A_78] : memref<33554432xf32, #tpu.memory_space<hbm>> -> memref<16384xf32, #tpu.memory_space<hbm>>
        tpu.enqueue_dma source(%arg9 : memref<16384xf32, #tpu.memory_space<vmem>>) target(%dma_start3A_80 : memref<16384xf32, #tpu.memory_space<hbm>>) target_semaphore(%arg13 : memref<!tpu.dma_semaphore, #tpu.memory_space<semaphore_mem>>)
      } else {
      }
    }
    %scan3A_12 = arith.constant 64 : i32
    %add3A_13 = arith.constant 1015808 : i32
    %add3A_14 = arith.addi %mul3A_4, %add3A_13 : i32
    %dma_wait3A = tpu.memref_slice %arg4[%add3A_14] : memref<33554432xf32, #tpu.memory_space<hbm>> -> memref<16384xf32, #tpu.memory_space<hbm>>
    %dma_wait3A_15 = tpu.memref_slice %arg4[%add3A_14] : memref<33554432xf32, #tpu.memory_space<hbm>> -> memref<16384xf32, #tpu.memory_space<hbm>>
    tpu.wait_dma2 semaphore(%arg12 : memref<!tpu.dma_semaphore, #tpu.memory_space<semaphore_mem>>) src(%arg8 : memref<16384xf32, #tpu.memory_space<vmem>>) dst(%dma_wait3A_15 : memref<16384xf32, #tpu.memory_space<hbm>>)
    %add3A_16 = arith.constant 1032192 : i32
    %add3A_17 = arith.addi %mul3A_4, %add3A_16 : i32
    %dma_wait3A_18 = tpu.memref_slice %arg4[%add3A_17] : memref<33554432xf32, #tpu.memory_space<hbm>> -> memref<16384xf32, #tpu.memory_space<hbm>>
    %dma_wait3A_19 = tpu.memref_slice %arg4[%add3A_17] : memref<33554432xf32, #tpu.memory_space<hbm>> -> memref<16384xf32, #tpu.memory_space<hbm>>
    tpu.wait_dma2 semaphore(%arg13 : memref<!tpu.dma_semaphore, #tpu.memory_space<semaphore_mem>>) src(%arg9 : memref<16384xf32, #tpu.memory_space<vmem>>) dst(%dma_wait3A_19 : memref<16384xf32, #tpu.memory_space<hbm>>)
    return
  }
}

</mosaic_0001>

<sc_bundles>
// kernel: kernel.3.cloned.1.call-start
scs
__scs_entry_jumppad:
0x0: {  	(pc) =	sbr.rel $0x88, $3  }
0x1: {  	(tag) =	ssettag $0x0;
	lr =	simm.s32 $0x1  }
0x2: {  	[smem:$0x3F9F] =	sst lr;
	_ =	strace $0xD0000000  }
0x3: {  	_ = 	snop  }
0x4: {  	_ = 	snop  }
0x5: {  	_ = 	snop  }
0x6: {  	_ = 	snop  }
0x7: {  	_ = 	snop  }
__scs_overlays_trampoline_lowered:
0x8: {  	[smem:$0x3FAE] =	sst s0  }
0x9: {  	[smem:$0x3FAF] =	sst s1  }
0xa: {  	[smem:$0x3FB0] =	sst s2  }
0xb: {  	[smem:$0x3FB1] =	sst s3  }
0xc: {  	[smem:$0x3FB2] =	sst s4  }
0xd: {  	[smem:$0x3FB3] =	sst s5  }
0xe: {  	[smem:$0x3FB4] =	sst s6  }
0xf: {  	[smem:$0x3FB5] =	sst s7  }
0x10: {  	[smem:$0x3FB6] =	sst s8  }
0x11: {  	[smem:$0x3FB7] =	sst s9;
	s0 =	simm.s32 @!p0 $0x0  }
0x12: {  	s1 =	sld [smem:$0x3F9D];
	s0 =	simm.s32 @p0 $0x1  }
0x13: {  	[smem:$0x3FB8] =	sst s0;
	s0 =	simm.s32 @!p1 $0x0  }
0x14: {  	s2 =	sld [smem:$0x3F9C];
	s0 =	simm.s32 @p1 $0x1  }
0x15: {  	[smem:$0x3FB9] =	sst s0;
	s0 =	simm.s32 @!p2 $0x0  }
0x16: {  	s3 =	sld [smem:$0x3FDB];
	s0 =	simm.s32 @p2 $0x1  }
0x17: {  	s4 =	simm.s32 $0x1BF5;
	[smem:$0x3FBB] =	sst s0  }
0x18: {  	s0 =	sld [smem:$0x3F9E];
	_ =	swait.ge [sflag:s4], $0x0  }
0x19: {  	s7 =	sld [smem:$0x3F9F]  }
0x1a: {  	s8 =	sadd.s32 $0xFFFFE003, lr  }
0x1b: {  	s9 =	sadd.s32 $0xFFFFFEF7, lr;
	s5 =	simm.s32 $0xFFFFFFFF;
	p2 =	slt.u32 s8, $0xFFFFF086  }
0x1c: {  	p1 =	slt.u32 s9, $0xF7A;
	s5 =	simm.s32 @!p2 $0x0  }
0x1d: {  	s5 =	simm.s32 @p1 $0x1;
	p0 =	seq.s32 s7, s2  }
0x1e: {  	s7 =	smul.u32 @!p0 $0xF7A, s2;
	p2 =	seq.s32 @!p0 s5, $0x0  }
0x1f: {  	s9 =	smul.u32 $0xF7A, s1;
	s8 =	simm.s32 @!p0 $0x1BF5;
	p2 =	por !p2, p0  }
0x20: {  	[sflag:s8] =	ssyncset.s32 @!p0 $0xFFFFF086;
	s6 =	sadd.s32 @!p0 s3, s7;
	s7 =	simm.s32 @!p0 $0x108  }
0x21: {  	s3 =	sadd.s32 s3, s9;
	s6 =	sadd.s32 @!p0 $0x88, s6;
	s7 =	simm.s32 @p2 $0x1082  }
0x22: {  	[simem:s7], [sflag:s8] =	dma.local @!p0 [hbm:s6], $0xF7A  }
0x23: {  	s9 =	sor.u32 $0xD0000000, s2;
	s6 =	simm.s32 $0x108;
	_ =	swait.ge @!p0 [sflag:s8], $0x0  }
0x24: {  	s3 =	sadd.s32 $0x88, s3;
	s6 =	simm.s32 @!p1 $0x1082;
	[sflag:s4] =	ssyncset.s32 $0xFFFFF086  }
0x25: {  	[simem:s6], [sflag:s4] =	dma.local [hbm:s3], $0xF7A  }
0x26: {  	[smem:$0x3F9F] =	sst s1;
	(tag) =	ssettag s2;
	_ =	strace s9  }
0x27: {  	s1 =	sld [smem:$0x3FAF]  }
0x28: {  	s2 =	sld [smem:$0x3FB0]  }
0x29: {  	s4 =	sld [smem:$0x3FB2]  }
0x2a: {  	p0 =	seq.s32 s5, $0x0;
	s5 =	sld [smem:$0x3FB3]  }
0x2b: {  	s6 =	sld [smem:$0x3FB4]  }
0x2c: {  	s7 =	sld [smem:$0x3FB5]  }
0x2d: {  	s3 =	simm.s32 $0x108;
	s8 =	sld [smem:$0x3FB6]  }
0x2e: {  	s3 =	simm.s32 @!p0 $0x1082;
	s9 =	sld [smem:$0x3FB7]  }
0x2f: {  	lr =	sadd.s32 s0, s3;
	s0 =	sld [smem:$0x3FAE]  }
0x30: {  	s3 =	sld [smem:$0x3FB1]  }
0x31: {  	[smem:$0x3FBA] =	sst s10  }
0x32: {  	s10 =	sld [smem:$0x3FB8];
	_ =	sdelay $0x3  }
0x33: {  	p0 =	seq.s32 s10, $0x1;
	s10 =	sld [smem:$0x3FBA];
	_ =	sdelay $0x3  }
0x34: {  	[smem:$0x3FBA] =	sst s10  }
0x35: {  	s10 =	sld [smem:$0x3FB9];
	_ =	sdelay $0x3  }
0x36: {  	p1 =	seq.s32 s10, $0x1;
	s10 =	sld [smem:$0x3FBA];
	_ =	sdelay $0x3  }
0x37: {  	[smem:$0x3FBA] =	sst s10  }
0x38: {  	s10 =	sld [smem:$0x3FBB]  }
0x39: {  	_ = 	snop;
	(pc) =	sbr.ind lr, $3  }
0x3a: {  	_ = 	snop  }
0x3b: {  	_ = 	snop  }
0x3c: {  	p2 =	seq.s32 s10, $0x1;
	s10 =	sld [smem:$0x3FBA]  }
0x3d: {  	_ =	shalt  }
0x3e: {  	_ =	shalt  }
0x3f: {  	_ =	shalt  }
0x40: {  	_ =	shalt  }
0x41: {  	_ =	shalt  }
0x42: {  	_ =	shalt  }
0x43: {  	_ =	shalt  }
0x44: {  	_ =	shalt  }
0x45: {  	_ =	shalt  }
0x46: {  	_ =	shalt  }
0x47: {  	_ =	shalt  }
0x48: {  	_ =	shalt  }
0x49: {  	_ =	shalt  }
0x4a: {  	_ =	shalt  }
0x4b: {  	_ =	shalt  }
0x4c: {  	_ =	shalt  }
0x4d: {  	_ =	shalt  }
0x4e: {  	_ =	shalt  }
0x4f: {  	_ =	shalt  }
0x50: {  	_ =	shalt  }
0x51: {  	_ =	shalt  }
0x52: {  	_ =	shalt  }
0x53: {  	_ =	shalt  }
0x54: {  	_ =	shalt  }
0x55: {  	_ =	shalt  }
0x56: {  	_ =	shalt  }
0x57: {  	_ =	shalt  }
0x58: {  	_ =	shalt  }
0x59: {  	_ =	shalt  }
0x5a: {  	_ =	shalt  }
0x5b: {  	_ =	shalt  }
0x5c: {  	_ =	shalt  }
0x5d: {  	_ =	shalt  }
0x5e: {  	_ =	shalt  }
0x5f: {  	_ =	shalt  }
0x60: {  	_ =	shalt  }
0x61: {  	_ =	shalt  }
0x62: {  	_ =	shalt  }
0x63: {  	_ =	shalt  }
0x64: {  	_ =	shalt  }
0x65: {  	_ =	shalt  }
0x66: {  	_ =	shalt  }
0x67: {  	_ =	shalt  }
0x68: {  	_ =	shalt  }
0x69: {  	_ =	shalt  }
0x6a: {  	_ =	shalt  }
0x6b: {  	_ =	shalt  }
0x6c: {  	_ =	shalt  }
0x6d: {  	_ =	shalt  }
0x6e: {  	_ =	shalt  }
0x6f: {  	_ =	shalt  }
0x70: {  	_ =	shalt  }
0x71: {  	_ =	shalt  }
0x72: {  	_ =	shalt  }
0x73: {  	_ =	shalt  }
0x74: {  	_ =	shalt  }
0x75: {  	_ =	shalt  }
0x76: {  	_ =	shalt  }
0x77: {  	_ =	shalt  }
0x78: {  	_ =	shalt  }
0x79: {  	_ =	shalt  }
0x7a: {  	_ =	shalt  }
0x7b: {  	_ =	shalt  }
0x7c: {  	_ =	shalt  }
0x7d: {  	_ =	shalt  }
0x7e: {  	_ =	shalt  }
0x7f: {  	_ =	shalt  }
0x80: {  	_ =	shalt  }
0x81: {  	_ =	shalt  }
0x82: {  	_ =	shalt  }
0x83: {  	_ =	shalt  }
0x84: {  	_ =	shalt  }
0x85: {  	_ =	shalt  }
0x86: {  	_ =	shalt  }
0x87: {  	_ =	shalt  }
.Lfunc_end0:
.L_simem_size_0:
called_computation.1_lowered:
.L_overlay_start_0:
0x88: {  	s2 =	sld [smem:$0x3FD9]  }
0x89: {  	s3 =	sld [smem:$0x3FFE];
	_ =	sdelay $0x1  }
0x8a: {  	s1 =	srdreg.scid  }
0x8b: {  	s0 =	sand.u32 $0x1, s1  }
0x8c: {  	s17 =	sshll.u32 s0, $0xA;
	s2 =	sadd.s32 s3, s2  }
0x8d: {  	s2 =	sadd.s32 s2, s17  }
0x8e: {  	[smem:$0x3FC6] =	sst s2  }
0x8f: {  	_ = 	snop  }
0x90: {  	s2 =	sld [smem:$0x3FC8]  }
0x91: {  	s18 =	sld [smem:$0x3FD0];
	(tm) =	ssettm $0x1  }
0x92: {  	s4 =	sld [smem:$0x3FFB];
	_ =	sdelay $0x3  }
0x93: {  	_ =	strace s4  }
0x94: {  	s4 =	sld [smem:$0x3FFC];
	_ =	sdelay $0x3  }
0x95: {  	_ =	strace s4  }
0x96: {  	s4 =	sld [smem:$0x3FFD];
	_ =	sdelay $0x3  }
0x97: {  	_ =	strace s4  }
0x98: {  	_ =	strace $0x8FFFFFFF  }
0x99: {  	s19 =	sld [smem:$0x3FDB];
	_ =	sdelay $0x1  }
0x9a: {  	s5 =	simm.s32 $_scs_section_size  }
0x9b: {  	s6 =	simm.s32 $_size__tile_overlayer_lowered;
	s7 =	simm.s32 $_tile_overlayer_lowered  }
0x9c: {  	s22 =	simm.s32 $0x1BFF;
	s21 =	sshll.u32 s7, $0x1;
	s4 =	sadd.s32 s5, s19  }
0x9d: {  	s8 =	simm.s32 $0x0;
	s20 =	sshll.u32 s6, $0x1;
	s6 =	sadd.s32 s21, s4  }
0x9e: {  	[timem:s8], [sflag:s22] =	dma.local [hbm:s6], s20  }
0x9f: {  	_ =	swait.ge [sflag:s22], s20  }
0xa0: {  	s5 =	ssub.s32 $0x0, s20;
	[sflag:s22] =	ssyncset.done $0x0  }
0xa1: {  	[sflag:s22] =	ssyncadd.s32 s5;
	_ =	sdelay $0x1  }
0xa2: {  	s23 =	simm.s32 $0x1B8B  }
0xa3: {  	_ =	swait.ge [sflag:s23], $0x1  }
0xa4: {  	[sflag:s23] =	ssyncset.done $0x0  }
0xa5: {  	s25 =	simm.s32 $0x1B8E;
	s24 =	sld [smem:$0x3FFE];
	[sflag:s23] =	ssyncadd.s32 $0xFFFFFFFF  }
0xa6: {  	s26 =	simm.s32 $execute0_lowered;
	[smem:$0x3FD2] =	sst s25  }
0xa7: {  	s6 =	sshll.u32 s26, $0x1;
	_ =	strace $0x80000049;
	[dreg:$0x1] =	wrdreg $0xFFFFFFFF  }
0xa8: {  	s28 =	simm.s32 $_size_execute0_lowered;
	s4 =	sadd.s32 s4, s6;
	[dreg:$0x0] =	wrdreg $0x0  }
0xa9: {  	s6 =	sshll.u32 s28, $0x1;
	[dreg:$0x2] =	wrdreg s4  }
0xaa: {  	[dreg:$0x3] =	wrdreg s6  }
0xab: {  	[dreg:$0x4] =	wrdreg $0xC0  }
0xac: {  	_ =	task [dreg:s8], $0x5FFFF  }
0xad: {  	[dreg:$0x1] =	wrdreg $0xFFFFFFFF  }
0xae: {  	[dreg:$0x0] =	wrdreg $0x60  }
0xaf: {  	[dreg:$0x2] =	wrdreg s18  }
0xb0: {  	[dreg:$0x3] =	wrdreg s2  }
0xb1: {  	[dreg:$0x4] =	wrdreg s24  }
0xb2: {  	[dreg:$0x5] =	wrdreg $0x9  }
0xb3: {  	_ =	task.clear_ibuf [dreg:s8], $0x6FFFF;
	_ =	strace $0x90000049  }
0xb4: {  	s29 =	simm.s32 $0x9;
	_ =	strace $0x8000004B  }
0xb5: {  	_ =	swait.ge [sflag:s29], $0x1  }
0xb6: {  	[sflag:s29] =	ssyncadd.s32 $0xFFFFFFFF  }
0xb7: {  	_ =	strace $0x9000004B  }
0xb8: {  	_ =	sfence  }
0xb9: {  	s30 =	sld [smem:$0x0];
	_ =	sdelay $0x2  }
0xba: {  	s31 =	sshll.u32 s1, $0xD;
	s1 =	sshrl.u32 s1, $0x2  }
0xbb: {  	s3 =	sand.u32 $0x4000, s31;
	s1 =	sadd.s32 s1, s30  }
0xbc: {  	s0 =	sor.u32 s3, s0;
	s1 =	sshll.u32 s1, $0x11  }
0xbd: {  	s0 =	sor.u32 s1, s0  }
0xbe: {  	s0 =	sadd.s32 $0x8F2B, s0  }
0xbf: {  	[sflag:s0] =	ssyncadd.remote.s32 $0x1  }
0xc0: {  	_ =	sfence.sel $0xFFFF  }
0xc1: {  	[dreg:$0x0] =	wrdreg $0xFFFFFFFF;
	(pc) =	sbr.abs _section_cstart, $3  }
0xc2: {  	[dreg:$0x1] =	wrdreg $0xFFFFFFFF  }
0xc3: {  	_ =	task.clear_ibuf [dreg:s8], $0x2FFFF;
	_ =	strace $0x9FFFFFFF  }
0xc4: {  	(tm) =	ssettm $0x7FFFFFFF  }
0xc5: {  	_ =	shalt  }
tec
execute0_lowered:
.L_overlay_start_1:
0x0: {  	(tag) =	ssettag $0x1  }
0x1: {  	s1 =	rddreg [dreg:$0x0]  }
0x2: {  	s3 =	rddreg [dreg:$0x1]  }
0x3: {  	s6 =	rddreg [dreg:$0x2]  }
0x4: {  	s4 =	srdreg.scid;
	s0 =	rddreg [dreg:$0x3]  }
0x5: {  	s2 =	stileid.u32;
	s10 =	simm.s32 $0x5;
	s11 =	simm.s32 $0x800  }
0x6: {  	s12 =	simm.s32 $0x2;
	s13 =	simm.s32 $0x4800;
	s14 =	simm.s32 $0xC800  }
0x7: {  	s15 =	simm.s32 $0x3;
	s16 =	simm.s32 $0x4;
	s17 =	simm.s32 $0x1  }
0x8: {  	s18 =	simm.s32 $0x8800;
	s19 =	simm.s32 $0x0;
	s5 =	sand.u32 $0x1, s4  }
.Ltmp0:
0x9: {  	s4 =	simm.s32 $0x0;
	s7 =	sshll.u32 s2, $0x15;
	(pc) =	sbr.rel .LBB2_1-.Ltmp0, $4  }
0xa: {  	s6 =	sadd.s32 $0x800, s6;
	s8 =	sshll.u32 s5, $0x14;
	s9 =	ssub.s32 $0x2, s5  }
0xb: {  	[smem:$0x7FF] =	sst s4;
	s5 =	sor.u32 s8, s7;
	s31 =	sshrl.u32 s9, $0x1  }
0xc: {  	_ =	strace $0x8000004A;
	s8 =	sshrl.u32 s5, $0x3;
	s9 =	ssub.s32 s9, s31  }
0xd: {  	s7 =	sadd.s32 s1, s8;
	s8 =	sor.u32 $0x4000, s5;
	s9 =	smax.u32 s9, $0x1  }
.LBB2_10:
0xe: {  	s19 =	sadd.s32 $0x1, s19  }
0xf: {  	_ =	swait.ge [sflag:s15], $0x4000;
	p0 =	sne.s32 s19, s9  }
.Ltmp1:
0x10: {  	[sflag:s15] =	ssyncset.done $0x0;
	(pc) =	sbr.rel @!p0 .LBB2_11-.Ltmp1, $4  }
0x11: {  	[sflag:s15] =	ssyncadd.s32 $0xFFFFC000  }
0x12: {  	_ =	swait.ge [sflag:s16], $0x4000  }
0x13: {  	[sflag:s16] =	ssyncset.done $0x0  }
0x14: {  	[sflag:s16] =	ssyncadd.s32 $0xFFFFC000  }
.LBB2_1:
0x15: {  	[tilespmem:s4], [sflag:$0x5] =	stream.linear.gather [hbm4b:s3+s4], $0x800, $0x38;
	[tilespmem:$0x10800] =	vst v63  }
.Ltmp2:
0x16: {  	_ = 	snop;
	(pc) =	sbr.rel .LBB2_2-.Ltmp2, $4  }
0x17: {  	_ =	swait.ge [sflag:s10], $0x800  }
0x18: {  	[sflag:s10] =	ssyncset.done $0x0  }
0x19: {  	s20 =	simm.s32 $0x0;
	[sflag:s10] =	ssyncadd.s32 $0xFFFFF800  }
0x1a: {  	[tilespmem:s11], [sflag:$0x1] =	stream.linear.gather [hbm4b:s7+s4], $0x4000, $0x38;
	[tilespmem:$0x10800] =	vst v63  }
.LBB2_9:
0x1b: {  	s20 =	sadd.s32 $0x1, s20  }
0x1c: {  	p0 =	sne.s32 s20, $0x40  }
.Ltmp3:
0x1d: {  	_ = 	snop;
	(pc) =	sbr.rel @!p0 .LBB2_10-.Ltmp3, $1  }
0x1e: {  	_ =	sdelay $0x3  }
.LBB2_2:
0x1f: {  	s21 =	sand.u32 $0x1, s20  }
0x20: {  	p0 =	seq.s32 s21, $0x1  }
.Ltmp4:
0x21: {  	_ = 	snop;
	(pc) =	sbr.rel @p0 .LBB2_6-.Ltmp4, $1  }
0x22: {  	_ =	sdelay $0x3  }
0x23: {  	s23 =	sshll.u32 s20, $0xE  }
0x24: {  	s22 =	sadd.s32 s8, s23  }
0x25: {  	s22 =	sshrl.u32 s22, $0x3  }
0x26: {  	s22 =	sadd.s32 s1, s22  }
0x27: {  	[tilespmem:s13], [sflag:$0x2] =	stream.linear.gather [hbm4b:s22+s4], $0x4000, $0x38;
	[tilespmem:$0x10800] =	vst v63  }
0x28: {  	_ =	swait.ge [sflag:s17], $0x4000  }
0x29: {  	p0 =	slt.u32 s20, $0x2;
	[sflag:s17] =	ssyncset.done $0x0  }
0x2a: {  	s22 =	simm.s32 @!p0 $0x3;
	[sflag:s17] =	ssyncadd.s32 $0xFFFFC000  }
0x2b: {  	_ =	swait.ge @!p0 [sflag:s22], $0x4000  }
0x2c: {  	[sflag:s22] =	ssyncset.done @!p0 $0x0  }
0x2d: {  	s24 =	simm.s32 $0x0;
	[sflag:s22] =	ssyncadd.s32 @!p0 $0xFFFFC000  }
0x2e: {  	v0 =	vld [tilespmem:s24+$0x0];
	_ =	sdelay $0x7  }
0x2f: {  	v1 =	vld.idx.msk [tilespmem:v0+s11+$0x0], $0xffff  }
0x30: {  	v2 =	vadd.s32 $0x800, v0;
	_ =	sdelay $0x2  }
0x31: {  	s22 =	simm.s32 $0x8800  }
0x32: {  	[tilespmem:s22+$0x0] =	vst v1  }
0x33: {  	v1 =	vld.idx.msk [tilespmem:v2+s11+$0x0], $0xffff  }
0x34: {  	v59 =	vadd.s32 $0x1000, v0;
	_ =	sdelay $0x2  }
0x35: {  	s24 =	sand.u32 $0x7F0, s24  }
0x36: {  	[tilespmem:s24+$0x9000] =	vst v1  }
0x37: {  	v1 =	vld.idx.msk [tilespmem:v59+s11+$0x0], $0xffff  }
0x38: {  	v60 =	vadd.s32 $0x1800, v0;
	_ =	sdelay $0x3  }
0x39: {  	[tilespmem:s24+$0x9800] =	vst v1  }
0x3a: {  	v1 =	vld.idx.msk [tilespmem:v60+s11+$0x0], $0xffff  }
0x3b: {  	v61 =	vadd.s32 $0x2000, v0;
	_ =	sdelay $0x3  }
0x3c: {  	[tilespmem:s24+$0xA000] =	vst v1  }
0x3d: {  	v1 =	vld.idx.msk [tilespmem:v61+s11+$0x0], $0xffff  }
0x3e: {  	v62 =	vadd.s32 $0x2800, v0;
	_ =	sdelay $0x3  }
0x3f: {  	[tilespmem:s24+$0xA800] =	vst v1  }
0x40: {  	v1 =	vld.idx.msk [tilespmem:v62+s11+$0x0], $0xffff  }
0x41: {  	v63 =	vadd.s32 $0x3000, v0;
	_ =	sdelay $0x3  }
0x42: {  	[tilespmem:s24+$0xB000] =	vst v1  }
0x43: {  	v1 =	vld.idx.msk [tilespmem:v63+s11+$0x0], $0xffff  }
0x44: {  	v0 =	vadd.s32 $0x3800, v0;
	_ =	sdelay $0x3  }
0x45: {  	[tilespmem:s24+$0xB800] =	vst v1  }
0x46: {  	v0 =	vld.idx.msk [tilespmem:v0+s11+$0x0], $0xffff;
	_ =	sdelay $0x4  }
0x47: {  	s25 =	simm.s32 $0x10;
	s23 =	sadd.s32 s5, s23;
	[tilespmem:s24+$0xC000] =	vst v0;
	s24 =	simm.s32 $0x10  }
.LBB2_4:
0x48: {  	v0 =	vld [tilespmem:s24+$0x0];
	p0 =	sne.s32 s25, $0x7F0;
	_ =	sdelay $0x4  }
0x49: {  	v1 =	vadd.s32 $0x3800, v0;
	_ =	sdelay $0x2  }
0x4a: {  	v2 =	vld.idx.msk [tilespmem:v0+s11+$0x0], $0xffff;
	_ =	sdelay $0x1  }
0x4b: {  	v3 =	vadd.s32 $0x800, v0;
	_ =	sdelay $0x2  }
0x4c: {  	s22 =	sadd.s32 $0x10, s22  }
0x4d: {  	[tilespmem:s22+$0x0] =	vst v2  }
0x4e: {  	v2 =	vld.idx.msk [tilespmem:v3+s11+$0x0], $0xffff;
	_ =	sdelay $0x1  }
0x4f: {  	v3 =	vadd.s32 $0x1000, v0;
	_ =	sdelay $0x2  }
0x50: {  	s26 =	sand.u32 $0x7F0, s25  }
0x51: {  	[tilespmem:s26+$0x9000] =	vst v2  }
0x52: {  	v2 =	vld.idx.msk [tilespmem:v3+s11+$0x0], $0xffff;
	_ =	sdelay $0x1  }
0x53: {  	v3 =	vadd.s32 $0x1800, v0;
	_ =	sdelay $0x3  }
0x54: {  	[tilespmem:s26+$0x9800] =	vst v2  }
0x55: {  	v2 =	vld.idx.msk [tilespmem:v3+s11+$0x0], $0xffff;
	_ =	sdelay $0x1  }
0x56: {  	v3 =	vadd.s32 $0x2000, v0;
	_ =	sdelay $0x3  }
0x57: {  	[tilespmem:s26+$0xA000] =	vst v2  }
0x58: {  	v2 =	vld.idx.msk [tilespmem:v3+s11+$0x0], $0xffff;
	_ =	sdelay $0x1  }
0x59: {  	v3 =	vadd.s32 $0x2800, v0;
	_ =	sdelay $0x3  }
0x5a: {  	[tilespmem:s26+$0xA800] =	vst v2  }
0x5b: {  	v2 =	vld.idx.msk [tilespmem:v3+s11+$0x0], $0xffff;
	_ =	sdelay $0x1  }
0x5c: {  	v0 =	vadd.s32 $0x3000, v0;
	_ =	sdelay $0x3  }
0x5d: {  	[tilespmem:s26+$0xB000] =	vst v2  }
0x5e: {  	v0 =	vld.idx.msk [tilespmem:v0+s11+$0x0], $0xffff;
	_ =	sdelay $0x5  }
0x5f: {  	[tilespmem:s26+$0xB800] =	vst v0  }
0x60: {  	v0 =	vld.idx.msk [tilespmem:v1+s11+$0x0], $0xffff;
	_ =	sdelay $0x1  }
.Ltmp5:
0x61: {  	(pc) =	sbr.rel @p0 .LBB2_4-.Ltmp5, $2  }
0x62: {  	_ =	sdelay $0x2  }
0x63: {  	s24 =	sadd.s32 $0x10, s24;
	s25 =	sadd.s32 $0x10, s25;
	[tilespmem:s26+$0xC000] =	vst v0  }
0x64: {  	p0 =	seq.s32 s21, $0x0  }
.Ltmp6:
0x65: {  	_ = 	snop;
	(pc) =	sbr.rel @p0 .LBB2_9-.Ltmp6, $4  }
0x66: {  	_ = 	snop  }
0x67: {  	s22 =	sshrl.u32 s23, $0x3  }
0x68: {  	s22 =	sadd.s32 s6, s22  }
0x69: {  	[hbm4b:s22+s4] =	stream.linear.scatter [tilespmem:s18], [sflag:$0x3], $0x4000, $0x38;
	[tilespmem:$0x10800] =	vst v63  }
.LBB2_6:
0x6a: {  	p0 =	seq.s32 s20, $0x3F  }
0x6b: {  	s22 =	sshll.u32 @!p0 s20, $0xE  }
0x6c: {  	s21 =	sadd.s32 @!p0 s22, s8  }
0x6d: {  	s21 =	sshrl.u32 @!p0 s21, $0x3  }
0x6e: {  	s23 =	simm.s32 @!p0 $0x0;
	s24 =	simm.s32 @!p0 $0x800;
	s21 =	sadd.s32 @!p0 s1, s21  }
0x6f: {  	[tilespmem:s24], [sflag:$0x1] =	stream.linear.gather @!p0 [hbm4b:s21+s23], $0x4000, $0x38;
	[tilespmem:$0x10800] =	vst v63  }
0x70: {  	_ =	swait.ge [sflag:s12], $0x4000  }
0x71: {  	p1 =	slt.u32 s20, $0x2;
	[sflag:s12] =	ssyncset.done $0x0  }
0x72: {  	s21 =	simm.s32 @!p1 $0x4;
	[sflag:s12] =	ssyncadd.s32 $0xFFFFC000  }
0x73: {  	_ =	swait.ge @!p1 [sflag:s21], $0x4000  }
0x74: {  	[sflag:s21] =	ssyncset.done @!p1 $0x0  }
0x75: {  	s31 =	simm.s32 $0x0;
	[sflag:s21] =	ssyncadd.s32 @!p1 $0xFFFFC000  }
0x76: {  	v0 =	vld [tilespmem:s31+$0x0];
	_ =	sdelay $0x7  }
0x77: {  	v1 =	vld.idx.msk [tilespmem:v0+s13+$0x0], $0xffff  }
0x78: {  	v2 =	vadd.s32 $0x800, v0;
	_ =	sdelay $0x2  }
0x79: {  	s21 =	simm.s32 $0xC800  }
0x7a: {  	[tilespmem:s21+$0x0] =	vst v1  }
0x7b: {  	v1 =	vld.idx.msk [tilespmem:v2+s13+$0x0], $0xffff  }
0x7c: {  	v59 =	vadd.s32 $0x1000, v0;
	_ =	sdelay $0x2  }
0x7d: {  	s23 =	sand.u32 $0x7F0, s31  }
0x7e: {  	[tilespmem:s23+$0xD000] =	vst v1  }
0x7f: {  	v1 =	vld.idx.msk [tilespmem:v59+s13+$0x0], $0xffff  }
0x80: {  	v60 =	vadd.s32 $0x1800, v0;
	_ =	sdelay $0x3  }
0x81: {  	[tilespmem:s23+$0xD800] =	vst v1  }
0x82: {  	v1 =	vld.idx.msk [tilespmem:v60+s13+$0x0], $0xffff  }
0x83: {  	v61 =	vadd.s32 $0x2000, v0;
	_ =	sdelay $0x3  }
0x84: {  	[tilespmem:s23+$0xE000] =	vst v1  }
0x85: {  	v1 =	vld.idx.msk [tilespmem:v61+s13+$0x0], $0xffff  }
0x86: {  	v62 =	vadd.s32 $0x2800, v0;
	_ =	sdelay $0x3  }
0x87: {  	[tilespmem:s23+$0xE800] =	vst v1  }
0x88: {  	v1 =	vld.idx.msk [tilespmem:v62+s13+$0x0], $0xffff  }
0x89: {  	v63 =	vadd.s32 $0x3000, v0;
	_ =	sdelay $0x3  }
0x8a: {  	[tilespmem:s23+$0xF000] =	vst v1  }
0x8b: {  	v1 =	vld.idx.msk [tilespmem:v63+s13+$0x0], $0xffff  }
0x8c: {  	v0 =	vadd.s32 $0x3800, v0;
	_ =	sdelay $0x3  }
0x8d: {  	[tilespmem:s23+$0xF800] =	vst v1  }
0x8e: {  	v0 =	vld.idx.msk [tilespmem:v0+s13+$0x0], $0xffff;
	_ =	sdelay $0x3  }
0x8f: {  	s22 =	simm.s32 @p0 $0xFC000  }
0x90: {  	s22 =	sadd.s32 s5, s22;
	s24 =	simm.s32 $0x10;
	[tilespmem:s23+$0x10000] =	vst v0;
	s23 =	simm.s32 $0x10  }
.LBB2_7:
0x91: {  	v0 =	vld [tilespmem:s23+$0x0];
	p0 =	sne.s32 s24, $0x7F0;
	_ =	sdelay $0x4  }
0x92: {  	v1 =	vadd.s32 $0x3800, v0;
	_ =	sdelay $0x2  }
0x93: {  	v2 =	vld.idx.msk [tilespmem:v0+s13+$0x0], $0xffff;
	_ =	sdelay $0x1  }
0x94: {  	v3 =	vadd.s32 $0x800, v0;
	_ =	sdelay $0x2  }
0x95: {  	s21 =	sadd.s32 $0x10, s21  }
0x96: {  	[tilespmem:s21+$0x0] =	vst v2  }
0x97: {  	v2 =	vld.idx.msk [tilespmem:v3+s13+$0x0], $0xffff;
	_ =	sdelay $0x1  }
0x98: {  	v3 =	vadd.s32 $0x1000, v0;
	_ =	sdelay $0x2  }
0x99: {  	s25 =	sand.u32 $0x7F0, s24  }
0x9a: {  	[tilespmem:s25+$0xD000] =	vst v2  }
0x9b: {  	v2 =	vld.idx.msk [tilespmem:v3+s13+$0x0], $0xffff;
	_ =	sdelay $0x1  }
0x9c: {  	v3 =	vadd.s32 $0x1800, v0;
	_ =	sdelay $0x3  }
0x9d: {  	[tilespmem:s25+$0xD800] =	vst v2  }
0x9e: {  	v2 =	vld.idx.msk [tilespmem:v3+s13+$0x0], $0xffff;
	_ =	sdelay $0x1  }
0x9f: {  	v3 =	vadd.s32 $0x2000, v0;
	_ =	sdelay $0x3  }
0xa0: {  	[tilespmem:s25+$0xE000] =	vst v2  }
0xa1: {  	v2 =	vld.idx.msk [tilespmem:v3+s13+$0x0], $0xffff;
	_ =	sdelay $0x1  }
0xa2: {  	v3 =	vadd.s32 $0x2800, v0;
	_ =	sdelay $0x3  }
0xa3: {  	[tilespmem:s25+$0xE800] =	vst v2  }
0xa4: {  	v2 =	vld.idx.msk [tilespmem:v3+s13+$0x0], $0xffff;
	_ =	sdelay $0x1  }
0xa5: {  	v0 =	vadd.s32 $0x3000, v0;
	_ =	sdelay $0x3  }
0xa6: {  	[tilespmem:s25+$0xF000] =	vst v2  }
0xa7: {  	v0 =	vld.idx.msk [tilespmem:v0+s13+$0x0], $0xffff;
	_ =	sdelay $0x5  }
0xa8: {  	[tilespmem:s25+$0xF800] =	vst v0  }
0xa9: {  	v0 =	vld.idx.msk [tilespmem:v1+s13+$0x0], $0xffff;
	_ =	sdelay $0x1  }
.Ltmp7:
0xaa: {  	(pc) =	sbr.rel @p0 .LBB2_7-.Ltmp7, $2  }
0xab: {  	_ =	sdelay $0x2  }
0xac: {  	s23 =	sadd.s32 $0x10, s23;
	s24 =	sadd.s32 $0x10, s24;
	[tilespmem:s25+$0x10000] =	vst v0  }
.Ltmp8:
0xad: {  	(pc) =	sbr.rel .LBB2_9-.Ltmp8, $4  }
0xae: {  	_ = 	snop  }
0xaf: {  	s21 =	sshrl.u32 s22, $0x3  }
0xb0: {  	s21 =	sadd.s32 s6, s21  }
0xb1: {  	[hbm4b:s21+s4] =	stream.linear.scatter [tilespmem:s14], [sflag:$0x4], $0x4000, $0x38;
	[tilespmem:$0x10800] =	vst v63  }
.LBB2_11:
0xb2: {  	_ =	sfence.sel $0x180000  }
0xb3: {  	[bflag:$0x0] =	sbarrier.arrive $0xFFFF  }
0xb4: {  	p0 =	sne.s32 s2, $0x0;
	_ =	strace $0x9000004A  }
0xb5: {  	s0 =	sadd.s32 @!p0 $0x100000, s0;
	[bflag:$0x2] =	sbarrier.arrive $0xFFFF  }
0xb6: {  	[sflag:s0] =	ssyncadd.tile.s32 @!p0 $0x1;
	_ =	shalt  }
.Lfunc_end2:
_tile_overlayer_lowered:
.L_overlay_start_2:
0xb7: {  	(tag) =	ssettag $0x2  }
0xb8: {  	s0 =	rddreg [dreg:$0x0];
	s2 =	stileid.u32  }
0xb9: {  	s1 =	rddreg [dreg:$0x1];
	p0 =	sne.s32 s2, $0x0  }
0xba: {  	s3 =	rddreg [dreg:$0x2];
	[bflag:$0x3] =	sbarrier.arrive $0xFFFF;
	s2 =	simm.s32 @!p0 $0x1C05  }
0xbb: {  	[timem:s3], [sflag:s2] =	dma.local @!p0 [hbm:s0], s1  }
0xbc: {  	s0 =	simm.s32 @!p0 $0x5  }
0xbd: {  	_ =	swait.ge @!p0 [sflag:s0], s1  }
0xbe: {  	s1 =	ssub.s32 @!p0 $0x0, s1;
	[sflag:s0] =	ssyncset.done @!p0 $0x0  }
0xbf: {  	[sflag:s0] =	ssyncadd.s32 @!p0 s1  }
0xc0: {  	[bflag:$0x3] =	sbarrier.arrive $0xFFFF  }
0xc1: {  	_ =	shalt  }

// kernel: sparse-core-data-format-call.cloned.1.call-start
scs
called_computation_lowered:
.L_overlay_start_0:
0x0: {  	s2 =	sld [smem:$0x3FD9]  }
0x1: {  	s3 =	sld [smem:$0x3FFE];
	_ =	sdelay $0x1  }
0x2: {  	s1 =	srdreg.scid  }
0x3: {  	s0 =	sand.u32 $0x1, s1  }
0x4: {  	s19 =	sshll.u32 s0, $0xA;
	s2 =	sadd.s32 s3, s2  }
0x5: {  	s2 =	sadd.s32 s2, s19  }
0x6: {  	[smem:$0x3FC6] =	sst s2  }
0x7: {  	_ = 	snop  }
0x8: {  	s2 =	sld [smem:$0x3FC9]  }
0x9: {  	s20 =	sld [smem:$0x3FD0];
	(tm) =	ssettm $0x1  }
0xa: {  	s4 =	sld [smem:$0x3FFB];
	_ =	sdelay $0x3  }
0xb: {  	_ =	strace s4  }
0xc: {  	s4 =	sld [smem:$0x3FFC];
	_ =	sdelay $0x3  }
0xd: {  	_ =	strace s4  }
0xe: {  	s4 =	sld [smem:$0x3FFD];
	_ =	sdelay $0x3  }
0xf: {  	_ =	strace s4  }
0x10: {  	_ =	strace $0x8FFFFFFF  }
0x11: {  	s21 =	sld [smem:$0x3FDB];
	_ =	sdelay $0x1  }
0x12: {  	s5 =	simm.s32 $_scs_section_size  }
0x13: {  	s6 =	simm.s32 $_size__tile_overlayer_lowered;
	s7 =	simm.s32 $_tile_overlayer_lowered  }
0x14: {  	s24 =	simm.s32 $0x1BFF;
	s23 =	sshll.u32 s7, $0x1;
	s4 =	sadd.s32 s5, s21  }
0x15: {  	s8 =	simm.s32 $0x0;
	s22 =	sshll.u32 s6, $0x1;
	s6 =	sadd.s32 s23, s4  }
0x16: {  	[timem:s8], [sflag:s24] =	dma.local [hbm:s6], s22  }
0x17: {  	_ =	swait.ge [sflag:s24], s22  }
0x18: {  	s5 =	ssub.s32 $0x0, s22;
	[sflag:s24] =	ssyncset.done $0x0  }
0x19: {  	[sflag:s24] =	ssyncadd.s32 s5;
	_ =	sdelay $0x1  }
0x1a: {  	s25 =	simm.s32 $0x1B8B  }
0x1b: {  	_ =	swait.ge [sflag:s25], $0x1  }
0x1c: {  	[sflag:s25] =	ssyncset.done $0x0  }
0x1d: {  	s26 =	simm.s32 $0x1B8E;
	[sflag:s25] =	ssyncadd.s32 $0xFFFFFFFF  }
0x1e: {  	s27 =	simm.s32 $execute0_lowered;
	[smem:$0x3FD2] =	sst s26  }
0x1f: {  	s5 =	sshll.u32 s27, $0x1;
	_ =	strace $0x80000046;
	[dreg:$0x1] =	wrdreg $0xFFFFFFFF  }
0x20: {  	s28 =	simm.s32 $_size_execute0_lowered;
	s4 =	sadd.s32 s4, s5;
	[dreg:$0x0] =	wrdreg $0x0  }
0x21: {  	s5 =	sshll.u32 s28, $0x1;
	[dreg:$0x2] =	wrdreg s4  }
0x22: {  	[dreg:$0x3] =	wrdreg s5  }
0x23: {  	[dreg:$0x4] =	wrdreg $0xC0  }
0x24: {  	_ =	task [dreg:s8], $0x5FFFF  }
0x25: {  	[dreg:$0x1] =	wrdreg $0xFFFFFFFF  }
0x26: {  	[dreg:$0x0] =	wrdreg $0x60  }
0x27: {  	[dreg:$0x2] =	wrdreg s2  }
0x28: {  	[dreg:$0x3] =	wrdreg s20  }
0x29: {  	[dreg:$0x4] =	wrdreg $0x9  }
0x2a: {  	_ =	task.clear_ibuf [dreg:s8], $0x5FFFF;
	_ =	strace $0x90000046  }
0x2b: {  	s29 =	simm.s32 $0x9;
	_ =	strace $0x80000048  }
0x2c: {  	_ =	swait.ge [sflag:s29], $0x1  }
0x2d: {  	[sflag:s29] =	ssyncadd.s32 $0xFFFFFFFF  }
0x2e: {  	_ =	strace $0x90000048  }
0x2f: {  	_ =	sfence  }
0x30: {  	s30 =	sld [smem:$0x0];
	_ =	sdelay $0x2  }
0x31: {  	s31 =	sshll.u32 s1, $0xD;
	s1 =	sshrl.u32 s1, $0x2  }
0x32: {  	s3 =	sand.u32 $0x4000, s31;
	s1 =	sadd.s32 s1, s30  }
0x33: {  	s0 =	sor.u32 s3, s0;
	s1 =	sshll.u32 s1, $0x11  }
0x34: {  	s0 =	sor.u32 s1, s0  }
0x35: {  	s0 =	sadd.s32 $0x8F2B, s0  }
0x36: {  	[sflag:s0] =	ssyncadd.remote.s32 $0x1  }
0x37: {  	_ =	sfence.sel $0xFFFF  }
0x38: {  	[dreg:$0x0] =	wrdreg $0xFFFFFFFF;
	(pc) =	sbr.abs _section_cstart, $3  }
0x39: {  	[dreg:$0x1] =	wrdreg $0xFFFFFFFF  }
0x3a: {  	_ =	task.clear_ibuf [dreg:s8], $0x2FFFF;
	_ =	strace $0x9FFFFFFF  }
0x3b: {  	(tm) =	ssettm $0x7FFFFFFF  }
tec
execute0_lowered:
.L_overlay_start_1:
0x0: {  	(tag) =	ssettag $0x1  }
0x1: {  	s2 =	rddreg [dreg:$0x0]  }
0x2: {  	s3 =	rddreg [dreg:$0x1]  }
0x3: {  	s0 =	rddreg [dreg:$0x2];
	s4 =	srdreg.scid  }
.Ltmp0:
0x4: {  	_ =	strace $0x80000047;
	s1 =	stileid.u32;
	(pc) =	sbr.rel .LBB1_1-.Ltmp0, $4  }
0x5: {  	s6 =	simm.s32 $0x2;
	p0 =	por $0x0, $0x0;
	s5 =	sshll.u32 s4, $0x4  }
0x6: {  	s9 =	simm.s32 $0x0;
	s4 =	simm.s32 $0x1;
	s5 =	sand.u32 $0x10, s5  }
0x7: {  	s7 =	simm.s32 $0x0;
	[sflag:s4] =	ssyncpa.u1 $0x0;
	s5 =	sor.u32 s1, s5  }
0x8: {  	[sflag:s6] =	ssyncpa.u1 $0x0;
	s6 =	simm.s32 $0x0;
	s8 =	smov.u32 s5  }
.LBB1_7:
0x9: {  	s11 =	sadd.s32 $0x20, s8  }
0xa: {  	p1 =	slt.u32 s7, $0x2;
	s7 =	sadd.s32 $0x1, s7;
	p2 =	sgt.s32 s11, $0x7FF  }
0xb: {  	s11 =	smov.u32 @p2 s5;
	p2 =	sne.s32 s7, $0x42  }
.Ltmp1:
0xc: {  	_ = 	snop;
	(pc) =	sbr.rel @!p2 .LBB1_8-.Ltmp1, $4  }
0xd: {  	s10 =	simm.s32 @!p1 $0x2  }
0xe: {  	_ =	swait.ge @!p1 [sflag:s10], $0x4000  }
0xf: {  	s9 =	smov.u32 s8;
	[sflag:s10] =	ssyncset.done @!p1 $0x0  }
0x10: {  	p0 =	por !p0, !p0;
	s8 =	smov.u32 s11;
	[sflag:s10] =	ssyncadd.s32 @!p1 $0xFFFFC000  }
.LBB1_1:
0x11: {  	p1 =	sgt.u32 s7, $0x3F  }
0x12: {  	s10 =	sxor.u32 @!p1 $0xFFFFFFFF, s7  }
0x13: {  	s11 =	sshll.u32 @!p1 s8, $0xB;
	s10 =	sshll.u32 @!p1 s10, $0xE  }
0x14: {  	s12 =	simm.s32 @!p1 $0x0;
	s11 =	sadd.s32 @!p1 s2, s11;
	s10 =	sand.u32 @!p1 $0x4000, s10  }
0x15: {  	[tilespmem:s10], [sflag:$0x1] =	stream.linear.gather @!p1 [hbm4b:s11+s12], $0x4000, $0x38;
	[tilespmem:$0x10000] =	vst v63  }
0x16: {  	p1 =	seq.s32 s7, $0x0  }
0x17: {  	p2 =	seq.s32 @!p1 s7, $0x41  }
0x18: {  	p1 =	por p1, p2  }
.Ltmp2:
0x19: {  	_ = 	snop;
	(pc) =	sbr.rel @p1 .LBB1_7-.Ltmp2, $1  }
0x1a: {  	_ =	sdelay $0x3  }
0x1b: {  	s10 =	simm.s32 $0x1;
	_ =	swait.ge [sflag:s4], $0x4000;
	s12 =	sshll.u32 s7, $0xE  }
0x1c: {  	s13 =	simm.s32 $0x0;
	s10 =	simm.s32 @!p0 $0x0;
	[sflag:s4] =	ssyncset.done $0x0  }
0x1d: {  	s12 =	sand.u32 $0x4000, s12;
	s11 =	sshll.u32 s10, $0xE;
	[sflag:s4] =	ssyncadd.s32 $0xFFFFC000  }
0x1e: {  	s12 =	sor.u32 $0x8000, s12;
	s10 =	sor.u32 $0x8040, s11;
	s11 =	sor.u32 $0x40, s11  }
.LBB1_3:
0x1f: {  	v0 =	vmov s11;
	_ =	sdelay $0x3  }
0x20: {  	s15 =	simm.s32 $0x0  }
0x21: {  	v6 =	vld.idx.msk [tilespmem:v0+s15+$0x30 ss:$0x1], $0xffff  }
0x22: {  	v7 =	vld.idx.msk [tilespmem:v0+s15+$0xFFFFFFC0 ss:$0x1], $0xffff  }
0x23: {  	v5 =	vld.idx.msk [tilespmem:v0+s15+$0xFFFFFFD0 ss:$0x1], $0xffff  }
0x24: {  	v4 =	vld.idx.msk [tilespmem:v0+s15+$0xFFFFFFE0 ss:$0x1], $0xffff  }
0x25: {  	v3 =	vld.idx.msk [tilespmem:v0+s15+$0xFFFFFFF0 ss:$0x1], $0xffff  }
0x26: {  	v1 =	vld.idx.msk [tilespmem:v0+s15+$0x0 ss:$0x1], $0xffff  }
0x27: {  	v2 =	vld.idx.msk [tilespmem:v0+s15+$0x10 ss:$0x1], $0xffff;
	[tilespmem:s10+$0x30] =	vst v6  }
0x28: {  	s14 =	simm.s32 $0x80;
	s16 =	simm.s32 $0x400;
	[tilespmem:s10+$0xFFFFFFC0] =	vst v7;
	v6 =	vld.idx.msk [tilespmem:v0+s15+$0x20 ss:$0x1], $0xffff;
	s15 =	smov.u32 s10  }
.LBB1_4:
0x29: {  	p1 =	sne.s32 s16, $0xE00;
	v7 =	vld.idx.msk [tilespmem:v0+s14+$0x30 ss:$0x1], $0xffff;
	[tilespmem:s15+$0xFFFFFFD0] =	vst v5  }
0x2a: {  	v8 =	vld.idx.msk [tilespmem:v0+s14+$0xFFFFFFC0 ss:$0x1], $0xffff;
	[tilespmem:s15+$0xFFFFFFE0] =	vst v4  }
0x2b: {  	v5 =	vld.idx.msk [tilespmem:v0+s14+$0xFFFFFFD0 ss:$0x1], $0xffff;
	[tilespmem:s15+$0xFFFFFFF0] =	vst v3  }
.Ltmp3:
0x2c: {  	v4 =	vld.idx.msk [tilespmem:v0+s14+$0xFFFFFFE0 ss:$0x1], $0xffff;
	[tilespmem:s15+$0x0] =	vst v1;
	(pc) =	sbr.rel @p1 .LBB1_4-.Ltmp3, $4  }
0x2d: {  	v3 =	vld.idx.msk [tilespmem:v0+s14+$0xFFFFFFF0 ss:$0x1], $0xffff;
	[tilespmem:s15+$0x10] =	vst v2  }
0x2e: {  	v1 =	vld.idx.msk [tilespmem:v0+s14+$0x0 ss:$0x1], $0xffff;
	[tilespmem:s15+$0x20] =	vst v6;
	s15 =	sadd.s32 $0x800, s15  }
0x2f: {  	v2 =	vld.idx.msk [tilespmem:v0+s14+$0x10 ss:$0x1], $0xffff;
	[tilespmem:s15+$0x30] =	vst v7  }
0x30: {  	[tilespmem:s15+$0xFFFFFFC0] =	vst v8;
	v6 =	vld.idx.msk [tilespmem:v0+s14+$0x20 ss:$0x1], $0xffff;
	s14 =	sshra.s32 s16, $0x2;
	s16 =	sadd.s32 $0x200, s16  }
0x31: {  	_ =	sdelay $0x2  }
0x32: {  	[tilespmem:s15+$0xFFFFFFD0] =	vst v5  }
0x33: {  	v56 =	vld.idx.msk [tilespmem:v0+s14+$0x30 ss:$0x1], $0xffff;
	[tilespmem:s15+$0xFFFFFFE0] =	vst v4  }
0x34: {  	v57 =	vld.idx.msk [tilespmem:v0+s14+$0xFFFFFFC0 ss:$0x1], $0xffff;
	[tilespmem:s15+$0xFFFFFFF0] =	vst v3  }
0x35: {  	v58 =	vld.idx.msk [tilespmem:v0+s14+$0xFFFFFFD0 ss:$0x1], $0xffff;
	[tilespmem:s15+$0x0] =	vst v1  }
0x36: {  	v59 =	vld.idx.msk [tilespmem:v0+s14+$0xFFFFFFE0 ss:$0x1], $0xffff;
	[tilespmem:s15+$0x10] =	vst v2  }
0x37: {  	v60 =	vld.idx.msk [tilespmem:v0+s14+$0xFFFFFFF0 ss:$0x1], $0xffff;
	s31 =	sadd.s32 $0x800, s15;
	[tilespmem:s15+$0x20] =	vst v6  }
0x38: {  	v61 =	vld.idx.msk [tilespmem:v0+s14+$0x0 ss:$0x1], $0xffff;
	[tilespmem:s31+$0x30] =	vst v56  }
0x39: {  	v62 =	vld.idx.msk [tilespmem:v0+s14+$0x10 ss:$0x1], $0xffff;
	s13 =	sadd.s32 $0x1, s13;
	[tilespmem:s31+$0xFFFFFFC0] =	vst v57  }
0x3a: {  	v63 =	vld.idx.msk [tilespmem:v0+s14+$0x20 ss:$0x1], $0xffff;
	p1 =	sne.s32 s13, $0x10;
	[tilespmem:s31+$0xFFFFFFD0] =	vst v58  }
.Ltmp4:
0x3b: {  	[tilespmem:s31+$0xFFFFFFE0] =	vst v59;
	(pc) =	sbr.rel @p1 .LBB1_3-.Ltmp4, $4  }
0x3c: {  	[tilespmem:s31+$0xFFFFFFF0] =	vst v60  }
0x3d: {  	[tilespmem:s31+$0x0] =	vst v61  }
0x3e: {  	[tilespmem:s31+$0x10] =	vst v62  }
0x3f: {  	s10 =	sadd.s32 $0x80, s10;
	s11 =	sadd.s32 $0x400, s11;
	[tilespmem:s31+$0x20] =	vst v63  }
.Ltmp5:
0x40: {  	(pc) =	sbr.rel .LBB1_7-.Ltmp5, $4  }
0x41: {  	_ = 	snop  }
0x42: {  	s9 =	sshll.u32 s9, $0xB  }
0x43: {  	s9 =	sadd.s32 s3, s9  }
0x44: {  	[hbm4b:s9+s6] =	stream.linear.scatter [tilespmem:s12], [sflag:$0x2], $0x4000, $0x38;
	[tilespmem:$0x10000] =	vst v63  }
.LBB1_8:
0x45: {  	_ =	sfence.sel $0x180000  }
0x46: {  	s2 =	simm.s32 $0x1;
	[bflag:$0x0] =	sbarrier.arrive $0xFFFF  }
0x47: {  	s31 =	simm.s32 $0x2;
	[sflag:s2] =	ssyncpa.u1 $0x1  }
0x48: {  	[sflag:s31] =	ssyncpa.u1 $0x1  }
0x49: {  	p0 =	sne.s32 s1, $0x0;
	_ =	strace $0x90000047  }
0x4a: {  	s0 =	sadd.s32 @!p0 $0x100000, s0;
	[bflag:$0x2] =	sbarrier.arrive $0xFFFF  }
0x4b: {  	[sflag:s0] =	ssyncadd.tile.s32 @!p0 $0x1;
	_ =	shalt  }
.Lfunc_end1:
_tile_overlayer_lowered:
.L_overlay_start_2:
0x4c: {  	(tag) =	ssettag $0x2  }
0x4d: {  	s0 =	rddreg [dreg:$0x0];
	s2 =	stileid.u32  }
0x4e: {  	s1 =	rddreg [dreg:$0x1];
	p0 =	sne.s32 s2, $0x0  }
0x4f: {  	s3 =	rddreg [dreg:$0x2];
	[bflag:$0x3] =	sbarrier.arrive $0xFFFF;
	s2 =	simm.s32 @!p0 $0x1C01  }
0x50: {  	[timem:s3], [sflag:s2] =	dma.local @!p0 [hbm:s0], s1  }
0x51: {  	s0 =	simm.s32 @!p0 $0x1  }
0x52: {  	_ =	swait.ge @!p0 [sflag:s0], s1  }
0x53: {  	s1 =	ssub.s32 @!p0 $0x0, s1;
	[sflag:s0] =	ssyncset.done @!p0 $0x0  }
0x54: {  	[sflag:s0] =	ssyncadd.s32 @!p0 s1  }
0x55: {  	[bflag:$0x3] =	sbarrier.arrive $0xFFFF  }
0x56: {  	_ =	shalt  }

</sc_bundles>
